<compile_context>
chip_gen: v7x
topology: tpu7x:2x2x1
jax: 0.10.2.dev20260603
libtpu: 0.0.44.dev20260713+nightly
codegen_flags: <defaults>
</compile_context>

<pallas_src>
import functools

import jax
import jax.numpy as jnp
from jax import lax
from jax.experimental import pallas as pl
from jax.experimental.pallas import tpu as pltpu
from jax.experimental.pallas import tpu_sc as plsc



def _proj_body(tab_ref, w_ref, b_ref, out_ref):
    out_ref[...] = (lax.dot_general(
        w_ref[...], tab_ref[...], (((1,), (0,)), ((), ())),
        preferred_element_type=jnp.float32) + b_ref[0, 0])[0]


def _project(table, fc_w, fc_b, blkv):
    vocab, d = table.shape
    n = -(-vocab // blkv)
    out = pl.pallas_call(
        _proj_body,
        grid=(n,),
        in_specs=[
            pl.BlockSpec((d, blkv), lambda i: (0, i)),
            pl.BlockSpec((1, d), lambda i: (0, 0)),
            pl.BlockSpec(memory_space=pltpu.SMEM),
        ],
        out_specs=pl.BlockSpec((blkv,), lambda i: (i,)),
        out_shape=jax.ShapeDtypeStruct((n * blkv,), jnp.float32),
    )(table.T, fc_w, fc_b.reshape(1, 1))
    return out



def _make_sc_pool(l_seq, batch, proj_len):
    info = plsc.get_sparse_core_info()
    nc, ns, lanes = info.num_cores, info.num_subcores, info.num_lanes
    nw = nc * ns
    bpw = batch // nw
    groups = bpw // lanes
    mesh = plsc.VectorSubcoreMesh(core_axis_name="c", subcore_axis_name="s")

    @functools.partial(
        pl.kernel,
        mesh=mesh,
        out_type=jax.ShapeDtypeStruct((batch,), jnp.float32),
        scratch_types=[
            pltpu.VMEM((l_seq, bpw), jnp.int32),
            pltpu.VMEM((l_seq * bpw,), jnp.float32),
            pltpu.VMEM((bpw,), jnp.float32),
            pltpu.VMEM_SHARED((proj_len,), jnp.float32),
            pltpu.SemaphoreType.DMA,
            pltpu.SemaphoreType.DMA,
        ],
    )
    def sc_pool(x_hbm, proj_hbm, out_hbm, idx_v, vals_v, out_v, proj_s,
                sem, stage_sem):
        wid = lax.axis_index("s") * nc + lax.axis_index("c")
        base = wid * bpw
        sid = lax.axis_index("s")
        slc = proj_len // ns
        stage = pltpu.make_async_copy(proj_hbm.at[pl.ds(sid * slc, slc)],
                                      proj_s.at[pl.ds(sid * slc, slc)],
                                      stage_sem)
        stage.start()
        pltpu.sync_copy(x_hbm.at[:, pl.ds(base, bpw)], idx_v)
        stage.wait()
        plsc.subcore_barrier()

        def fire(l4, c):
            for u in range(4):
                l = l4 * 4 + u
                pltpu.async_copy(
                    proj_s.at[idx_v.at[l]],
                    vals_v.at[pl.ds(l * bpw, bpw)], sem)
            return c
        lax.fori_loop(0, l_seq // 4, fire, 0)

        pltpu.make_async_copy(
            proj_hbm.at[pl.ds(0, l_seq * bpw)], vals_v, sem).wait()

        def red(l, accs):
            return tuple(
                accs[g] + vals_v[pl.ds(l * bpw + g * lanes, lanes)]
                for g in range(groups))
        accs = lax.fori_loop(
            0, l_seq, red,
            tuple(jnp.zeros((lanes,), jnp.float32) for _ in range(groups)))

        inv = jnp.float32(1.0 / l_seq)
        for g in range(groups):
            z = accs[g] * inv
            out_v[pl.ds(g * lanes, lanes)] = 1.0 / (1.0 + jnp.exp(-z))
        pltpu.sync_copy(out_v, out_hbm.at[pl.ds(base, bpw)])

    return sc_pool


def kernel(x, table, fc_w, fc_b):
    l_seq, batch = x.shape
    proj = _project(table, fc_w, fc_b, blkv=36864)
    sc_pool = _make_sc_pool(l_seq, batch, proj.shape[0])
    return sc_pool(x.astype(jnp.int32), proj)

# --- scband reference (transcript-rebuilt; emitter-appended) ---
"""Pipeline reference for scband-baseline-17703855194139 (READ-ONLY COPY).

The authoritative reference and input builder live on the scoring server;
editing this copy changes nothing except your own understanding.
"""

import jax, jax.numpy as jnp
import numpy as np

VOCAB = 1000000
EMBED_DIM = 64
SEQ_LEN = 200
BATCH = 4096

def setup_inputs(seed: int = 0) -> dict:
    key = jax.random.key(seed)
    k_x, k_tab, k_w, k_b = jax.random.split(key, 4)
    x = jax.random.randint(k_x, (SEQ_LEN, BATCH), 0, VOCAB, dtype=jnp.int64 if jax.config.jax_enable_x64 else jnp.int32)
    table = jax.random.normal(k_tab, (VOCAB, EMBED_DIM), dtype=jnp.float32) * 0.02
    fc_w = jax.random.normal(k_w, (1, EMBED_DIM), dtype=jnp.float32) * (1.0 / np.sqrt(EMBED_DIM))
    fc_b = jnp.zeros((1,), dtype=jnp.float32)
    return {"x": x, "table": table, "fc_w": fc_w, "fc_b": fc_b}

def reference(x, table, fc_w, fc_b):
    # embedded = self.embedding(x)  -> gather rows of the table
    embedded = jnp.take(table, x, axis=0)            # [L, B, D]
    # average = embedded.mean(0)
    average = jnp.mean(embedded, axis=0)             # [B, D]
    # output = self.fc(average).squeeze(1)
    output = average @ fc_w.T + fc_b                 # [B, 1]
    output = jnp.squeeze(output, axis=1)             # [B]
    # output = F.sigmoid(output)
    output = jax.nn.sigmoid(output)
    return output

if __name__ == "__main__":
    import jax
    _d = setup_inputs()
    print(jax.jit(kernel)(*tuple(_d.values())))

</pallas_src>

<mosaic_0001>
#map = affine_map<(d0, d1) -> (0, 0)>
#map1 = affine_map<(d0, d1) -> (0)>
module attributes {stable_mosaic.version = 14 : i64} {
  func.func @sc_pool(%arg0: i32, %arg1: i32, %arg2: memref<200x4096xi32, #tpu.memory_space<hbm>>, %arg3: memref<1032192xf32, #tpu.memory_space<hbm>>, %arg4: memref<4096xf32, #tpu.memory_space<hbm>>, %arg5: memref<200x128xi32, #tpu.memory_space<vmem>>, %arg6: memref<25600xf32, #tpu.memory_space<vmem>>, %arg7: memref<128xf32, #tpu.memory_space<vmem>>, %arg8: memref<1032192xf32, #tpu.memory_space<vmem_shared>>, %arg9: memref<!tpu.dma_semaphore, #tpu.memory_space<semaphore_mem>>, %arg10: memref<!tpu.dma_semaphore, #tpu.memory_space<semaphore_mem>>) attributes {dimension_semantics = [#tpu.dimension_semantics<core_parallel>, #tpu.dimension_semantics<subcore_parallel>], iteration_bounds = array<i64: 2, 16>, scalar_prefetch = 0 : i64, scratch_operands = 6 : i64, tpu.core_type = #tpu.core_type<sc_vector_subcore>, window_params = [{transform_indices = #map}, {transform_indices = #map1}, {transform_indices = #map1}]} {
    %mul3A = arith.constant 2 : i32
    %mul3A_0 = arith.muli %arg1, %mul3A : i32
    %add3A = arith.addi %mul3A_0, %arg0 : i32
    %mul3A_1 = arith.constant 128 : i32
    %mul3A_2 = arith.muli %add3A, %mul3A_1 : i32
    %mul3A_3 = arith.constant 64512 : i32
    %mul3A_4 = arith.muli %arg1, %mul3A_3 : i32
    %mul3A_5 = arith.constant 64512 : i32
    %mul3A_6 = arith.muli %arg1, %mul3A_5 : i32
    %dma_start3A = tpu.memref_slice %arg8[%mul3A_6] : memref<1032192xf32, #tpu.memory_space<vmem_shared>> -> memref<64512xf32, #tpu.memory_space<vmem_shared>>
    %dma_start3A_7 = tpu.memref_slice %arg3[%mul3A_4] : memref<1032192xf32, #tpu.memory_space<hbm>> -> memref<64512xf32, #tpu.memory_space<hbm>>
    tpu.enqueue_dma source(%dma_start3A_7 : memref<64512xf32, #tpu.memory_space<hbm>>) target(%dma_start3A : memref<64512xf32, #tpu.memory_space<vmem_shared>>) target_semaphore(%arg10 : memref<!tpu.dma_semaphore, #tpu.memory_space<semaphore_mem>>)
    "tpu.region"() ({
      %run_scoped3A = tpu.sem_alloc : memref<!tpu.dma_semaphore, #tpu.memory_space<semaphore_mem>>
      %dma_start3A_171 = arith.constant 0 : i32
      %dma_start3A_172 = tpu.memref_slice %arg2[%dma_start3A_171, %mul3A_2] : memref<200x4096xi32, #tpu.memory_space<hbm>> -> memref<200x128xi32, #tpu.memory_space<hbm>>
      %dma_start3A_173 = arith.constant 0 : i32
      %dma_start3A_174 = tpu.memref_slice %arg2[%dma_start3A_173, %mul3A_2] : memref<200x4096xi32, #tpu.memory_space<hbm>> -> memref<200x128xi32, #tpu.memory_space<hbm>>
      tpu.enqueue_dma source(%dma_start3A_174 : memref<200x128xi32, #tpu.memory_space<hbm>>) target(%arg5 : memref<200x128xi32, #tpu.memory_space<vmem>>) target_semaphore(%run_scoped3A : memref<!tpu.dma_semaphore, #tpu.memory_space<semaphore_mem>>)
      %dma_wait3A_175 = arith.constant 0 : i32
      %dma_wait3A_176 = tpu.memref_slice %arg2[%dma_wait3A_175, %mul3A_2] : memref<200x4096xi32, #tpu.memory_space<hbm>> -> memref<200x128xi32, #tpu.memory_space<hbm>>
      %dma_wait3A_177 = arith.constant 0 : i32
      %dma_wait3A_178 = tpu.memref_slice %arg2[%dma_wait3A_177, %mul3A_2] : memref<200x4096xi32, #tpu.memory_space<hbm>> -> memref<200x128xi32, #tpu.memory_space<hbm>>
      tpu.wait_dma2 semaphore(%run_scoped3A : memref<!tpu.dma_semaphore, #tpu.memory_space<semaphore_mem>>) src(%dma_wait3A_178 : memref<200x128xi32, #tpu.memory_space<hbm>>) dst(%arg5 : memref<200x128xi32, #tpu.memory_space<vmem>>)
      tpu.yield
    }) : () -> ()
    %dma_wait3A = tpu.memref_slice %arg8[%mul3A_6] : memref<1032192xf32, #tpu.memory_space<vmem_shared>> -> memref<64512xf32, #tpu.memory_space<vmem_shared>>
    %dma_wait3A_8 = tpu.memref_slice %arg3[%mul3A_4] : memref<1032192xf32, #tpu.memory_space<hbm>> -> memref<64512xf32, #tpu.memory_space<hbm>>
    tpu.wait_dma2 semaphore(%arg10 : memref<!tpu.dma_semaphore, #tpu.memory_space<semaphore_mem>>) src(%dma_wait3A_8 : memref<64512xf32, #tpu.memory_space<hbm>>) dst(%dma_wait3A : memref<64512xf32, #tpu.memory_space<vmem_shared>>)
    %barrier3A = arith.constant 0 : index
    tpu.barrier barrier_id(%barrier3A)
    %scan3A = arith.constant 0 : i32
    %scan3A_9 = arith.constant 0 : i32
    %scan3A_10 = arith.constant 50 : i32
    %scan3A_11 = arith.addi %scan3A_9, %scan3A_10 : i32
    %scan3A_12 = arith.constant 1 : i32
    scf.for %scan3A_171 = %scan3A_9 to %scan3A_11 step %scan3A_12  : i32 {
      %mul3A_172 = arith.constant 4 : i32
      %mul3A_173 = arith.muli %scan3A_171, %mul3A_172 : i32
      %add3A_174 = arith.constant 0 : i32
      %add3A_175 = arith.addi %mul3A_173, %add3A_174 : i32
      %mul3A_176 = arith.constant 128 : i32
      %mul3A_177 = arith.muli %add3A_175, %mul3A_176 : i32
      %dma_start3A_178 = tpu.memref_slice %arg6[%mul3A_177] : memref<25600xf32, #tpu.memory_space<vmem>> -> memref<128xf32, #tpu.memory_space<vmem>>
      %dma_start3A_179 = arith.constant 0 : i32
      %dma_start3A_180 = tpu.memref_slice %arg5[%add3A_175, %dma_start3A_179] : memref<200x128xi32, #tpu.memory_space<vmem>> -> memref<1x128xi32, #tpu.memory_space<vmem>>
      %dma_start3A_181 = tpu.memref_squeeze %dma_start3A_180 : memref<1x128xi32, #tpu.memory_space<vmem>> -> memref<128xi32, #tpu.memory_space<vmem>>
      %dma_start3A_182 = arith.constant 0 : i32
      %dma_start3A_183 = tpu.memref_slice %arg8[%dma_start3A_182] : memref<1032192xf32, #tpu.memory_space<vmem_shared>> -> memref<1032192xf32, #tpu.memory_space<vmem_shared>>
      tpu.enqueue_indirect_dma source(%dma_start3A_183 : memref<1032192xf32, #tpu.memory_space<vmem_shared>>) target(%dma_start3A_178 : memref<128xf32, #tpu.memory_space<vmem>>) offsets(%dma_start3A_181 : memref<128xi32, #tpu.memory_space<vmem>>) semaphore(%arg9 : memref<!tpu.dma_semaphore, #tpu.memory_space<semaphore_mem>>)
      %mul3A_184 = arith.constant 4 : i32
      %mul3A_185 = arith.muli %scan3A_171, %mul3A_184 : i32
      %add3A_186 = arith.constant 1 : i32
      %add3A_187 = arith.addi %mul3A_185, %add3A_186 : i32
      %mul3A_188 = arith.constant 128 : i32
      %mul3A_189 = arith.muli %add3A_187, %mul3A_188 : i32
      %dma_start3A_190 = tpu.memref_slice %arg6[%mul3A_189] : memref<25600xf32, #tpu.memory_space<vmem>> -> memref<128xf32, #tpu.memory_space<vmem>>
      %dma_start3A_191 = arith.constant 0 : i32
      %dma_start3A_192 = tpu.memref_slice %arg5[%add3A_187, %dma_start3A_191] : memref<200x128xi32, #tpu.memory_space<vmem>> -> memref<1x128xi32, #tpu.memory_space<vmem>>
      %dma_start3A_193 = tpu.memref_squeeze %dma_start3A_192 : memref<1x128xi32, #tpu.memory_space<vmem>> -> memref<128xi32, #tpu.memory_space<vmem>>
      %dma_start3A_194 = arith.constant 0 : i32
      %dma_start3A_195 = tpu.memref_slice %arg8[%dma_start3A_194] : memref<1032192xf32, #tpu.memory_space<vmem_shared>> -> memref<1032192xf32, #tpu.memory_space<vmem_shared>>
      tpu.enqueue_indirect_dma source(%dma_start3A_195 : memref<1032192xf32, #tpu.memory_space<vmem_shared>>) target(%dma_start3A_190 : memref<128xf32, #tpu.memory_space<vmem>>) offsets(%dma_start3A_193 : memref<128xi32, #tpu.memory_space<vmem>>) semaphore(%arg9 : memref<!tpu.dma_semaphore, #tpu.memory_space<semaphore_mem>>)
      %mul3A_196 = arith.constant 4 : i32
      %mul3A_197 = arith.muli %scan3A_171, %mul3A_196 : i32
      %add3A_198 = arith.constant 2 : i32
      %add3A_199 = arith.addi %mul3A_197, %add3A_198 : i32
      %mul3A_200 = arith.constant 128 : i32
      %mul3A_201 = arith.muli %add3A_199, %mul3A_200 : i32
      %dma_start3A_202 = tpu.memref_slice %arg6[%mul3A_201] : memref<25600xf32, #tpu.memory_space<vmem>> -> memref<128xf32, #tpu.memory_space<vmem>>
      %dma_start3A_203 = arith.constant 0 : i32
      %dma_start3A_204 = tpu.memref_slice %arg5[%add3A_199, %dma_start3A_203] : memref<200x128xi32, #tpu.memory_space<vmem>> -> memref<1x128xi32, #tpu.memory_space<vmem>>
      %dma_start3A_205 = tpu.memref_squeeze %dma_start3A_204 : memref<1x128xi32, #tpu.memory_space<vmem>> -> memref<128xi32, #tpu.memory_space<vmem>>
      %dma_start3A_206 = arith.constant 0 : i32
      %dma_start3A_207 = tpu.memref_slice %arg8[%dma_start3A_206] : memref<1032192xf32, #tpu.memory_space<vmem_shared>> -> memref<1032192xf32, #tpu.memory_space<vmem_shared>>
      tpu.enqueue_indirect_dma source(%dma_start3A_207 : memref<1032192xf32, #tpu.memory_space<vmem_shared>>) target(%dma_start3A_202 : memref<128xf32, #tpu.memory_space<vmem>>) offsets(%dma_start3A_205 : memref<128xi32, #tpu.memory_space<vmem>>) semaphore(%arg9 : memref<!tpu.dma_semaphore, #tpu.memory_space<semaphore_mem>>)
      %mul3A_208 = arith.constant 4 : i32
      %mul3A_209 = arith.muli %scan3A_171, %mul3A_208 : i32
      %add3A_210 = arith.constant 3 : i32
      %add3A_211 = arith.addi %mul3A_209, %add3A_210 : i32
      %mul3A_212 = arith.constant 128 : i32
      %mul3A_213 = arith.muli %add3A_211, %mul3A_212 : i32
      %dma_start3A_214 = tpu.memref_slice %arg6[%mul3A_213] : memref<25600xf32, #tpu.memory_space<vmem>> -> memref<128xf32, #tpu.memory_space<vmem>>
      %dma_start3A_215 = arith.constant 0 : i32
      %dma_start3A_216 = tpu.memref_slice %arg5[%add3A_211, %dma_start3A_215] : memref<200x128xi32, #tpu.memory_space<vmem>> -> memref<1x128xi32, #tpu.memory_space<vmem>>
      %dma_start3A_217 = tpu.memref_squeeze %dma_start3A_216 : memref<1x128xi32, #tpu.memory_space<vmem>> -> memref<128xi32, #tpu.memory_space<vmem>>
      %dma_start3A_218 = arith.constant 0 : i32
      %dma_start3A_219 = tpu.memref_slice %arg8[%dma_start3A_218] : memref<1032192xf32, #tpu.memory_space<vmem_shared>> -> memref<1032192xf32, #tpu.memory_space<vmem_shared>>
      tpu.enqueue_indirect_dma source(%dma_start3A_219 : memref<1032192xf32, #tpu.memory_space<vmem_shared>>) target(%dma_start3A_214 : memref<128xf32, #tpu.memory_space<vmem>>) offsets(%dma_start3A_217 : memref<128xi32, #tpu.memory_space<vmem>>) semaphore(%arg9 : memref<!tpu.dma_semaphore, #tpu.memory_space<semaphore_mem>>)
    }
    %scan3A_13 = arith.constant 50 : i32
    %dma_wait3A_14 = arith.constant 0 : i32
    %dma_wait3A_15 = tpu.memref_slice %arg3[%dma_wait3A_14] : memref<1032192xf32, #tpu.memory_space<hbm>> -> memref<25600xf32, #tpu.memory_space<hbm>>
    %dma_wait3A_16 = arith.constant 0 : i32
    %dma_wait3A_17 = tpu.memref_slice %arg3[%dma_wait3A_16] : memref<1032192xf32, #tpu.memory_space<hbm>> -> memref<25600xf32, #tpu.memory_space<hbm>>
    tpu.wait_dma2 semaphore(%arg9 : memref<!tpu.dma_semaphore, #tpu.memory_space<semaphore_mem>>) src(%dma_wait3A_17 : memref<25600xf32, #tpu.memory_space<hbm>>) dst(%arg6 : memref<25600xf32, #tpu.memory_space<vmem>>)
    %broadcast_in_dim3A = arith.constant 0.000000e+00 : f32
    %broadcast_in_dim3A_18 = vector.broadcast %broadcast_in_dim3A : f32 to vector<16xf32>
    %broadcast_in_dim3A_19 = arith.constant 0.000000e+00 : f32
    %broadcast_in_dim3A_20 = vector.broadcast %broadcast_in_dim3A_19 : f32 to vector<16xf32>
    %broadcast_in_dim3A_21 = arith.constant 0.000000e+00 : f32
    %broadcast_in_dim3A_22 = vector.broadcast %broadcast_in_dim3A_21 : f32 to vector<16xf32>
    %broadcast_in_dim3A_23 = arith.constant 0.000000e+00 : f32
    %broadcast_in_dim3A_24 = vector.broadcast %broadcast_in_dim3A_23 : f32 to vector<16xf32>
    %broadcast_in_dim3A_25 = arith.constant 0.000000e+00 : f32
    %broadcast_in_dim3A_26 = vector.broadcast %broadcast_in_dim3A_25 : f32 to vector<16xf32>
    %broadcast_in_dim3A_27 = arith.constant 0.000000e+00 : f32
    %broadcast_in_dim3A_28 = vector.broadcast %broadcast_in_dim3A_27 : f32 to vector<16xf32>
    %broadcast_in_dim3A_29 = arith.constant 0.000000e+00 : f32
    %broadcast_in_dim3A_30 = vector.broadcast %broadcast_in_dim3A_29 : f32 to vector<16xf32>
    %broadcast_in_dim3A_31 = arith.constant 0.000000e+00 : f32
    %broadcast_in_dim3A_32 = vector.broadcast %broadcast_in_dim3A_31 : f32 to vector<16xf32>
    %scan3A_33 = arith.constant 0 : i32
    %scan3A_34 = arith.constant 200 : i32
    %scan3A_35 = arith.addi %scan3A_33, %scan3A_34 : i32
    %scan3A_36 = arith.constant 1 : i32
    %scan3A_37:8 = scf.for %scan3A_171 = %scan3A_33 to %scan3A_35 step %scan3A_36 iter_args(%scan3A_172 = %broadcast_in_dim3A_18, %scan3A_173 = %broadcast_in_dim3A_20, %scan3A_174 = %broadcast_in_dim3A_22, %scan3A_175 = %broadcast_in_dim3A_24, %scan3A_176 = %broadcast_in_dim3A_26, %scan3A_177 = %broadcast_in_dim3A_28, %scan3A_178 = %broadcast_in_dim3A_30, %scan3A_179 = %broadcast_in_dim3A_32) -> (vector<16xf32>, vector<16xf32>, vector<16xf32>, vector<16xf32>, vector<16xf32>, vector<16xf32>, vector<16xf32>, vector<16xf32>)  : i32 {
      %mul3A_180 = arith.constant 128 : i32
      %mul3A_181 = arith.muli %scan3A_171, %mul3A_180 : i32
      %add3A_182 = arith.constant 0 : i32
      %add3A_183 = arith.addi %mul3A_181, %add3A_182 : i32
      %get3A = arith.index_cast %add3A_183 : i32 to index
      %get3A_184 = tpu.vector_load %arg6[%get3A] {strides = array<i32>} : memref<25600xf32, #tpu.memory_space<vmem>>, vector<16xf32>,
      %get3A_185 = vector.shape_cast %get3A_184 : vector<16xf32> to vector<16xf32>
      %add3A_186 = arith.addf %scan3A_172, %get3A_185 : vector<16xf32>
      %mul3A_187 = arith.constant 128 : i32
      %mul3A_188 = arith.muli %scan3A_171, %mul3A_187 : i32
      %add3A_189 = arith.constant 16 : i32
      %add3A_190 = arith.addi %mul3A_188, %add3A_189 : i32
      %get3A_191 = arith.index_cast %add3A_190 : i32 to index
      %get3A_192 = tpu.vector_load %arg6[%get3A_191] {strides = array<i32>} : memref<25600xf32, #tpu.memory_space<vmem>>, vector<16xf32>,
      %get3A_193 = vector.shape_cast %get3A_192 : vector<16xf32> to vector<16xf32>
      %add3A_194 = arith.addf %scan3A_173, %get3A_193 : vector<16xf32>
      %mul3A_195 = arith.constant 128 : i32
      %mul3A_196 = arith.muli %scan3A_171, %mul3A_195 : i32
      %add3A_197 = arith.constant 32 : i32
      %add3A_198 = arith.addi %mul3A_196, %add3A_197 : i32
      %get3A_199 = arith.index_cast %add3A_198 : i32 to index
      %get3A_200 = tpu.vector_load %arg6[%get3A_199] {strides = array<i32>} : memref<25600xf32, #tpu.memory_space<vmem>>, vector<16xf32>,
      %get3A_201 = vector.shape_cast %get3A_200 : vector<16xf32> to vector<16xf32>
      %add3A_202 = arith.addf %scan3A_174, %get3A_201 : vector<16xf32>
      %mul3A_203 = arith.constant 128 : i32
      %mul3A_204 = arith.muli %scan3A_171, %mul3A_203 : i32
      %add3A_205 = arith.constant 48 : i32
      %add3A_206 = arith.addi %mul3A_204, %add3A_205 : i32
      %get3A_207 = arith.index_cast %add3A_206 : i32 to index
      %get3A_208 = tpu.vector_load %arg6[%get3A_207] {strides = array<i32>} : memref<25600xf32, #tpu.memory_space<vmem>>, vector<16xf32>,
      %get3A_209 = vector.shape_cast %get3A_208 : vector<16xf32> to vector<16xf32>
      %add3A_210 = arith.addf %scan3A_175, %get3A_209 : vector<16xf32>
      %mul3A_211 = arith.constant 128 : i32
      %mul3A_212 = arith.muli %scan3A_171, %mul3A_211 : i32
      %add3A_213 = arith.constant 64 : i32
      %add3A_214 = arith.addi %mul3A_212, %add3A_213 : i32
      %get3A_215 = arith.index_cast %add3A_214 : i32 to index
      %get3A_216 = tpu.vector_load %arg6[%get3A_215] {strides = array<i32>} : memref<25600xf32, #tpu.memory_space<vmem>>, vector<16xf32>,
      %get3A_217 = vector.shape_cast %get3A_216 : vector<16xf32> to vector<16xf32>
      %add3A_218 = arith.addf %scan3A_176, %get3A_217 : vector<16xf32>
      %mul3A_219 = arith.constant 128 : i32
      %mul3A_220 = arith.muli %scan3A_171, %mul3A_219 : i32
      %add3A_221 = arith.constant 80 : i32
      %add3A_222 = arith.addi %mul3A_220, %add3A_221 : i32
      %get3A_223 = arith.index_cast %add3A_222 : i32 to index
      %get3A_224 = tpu.vector_load %arg6[%get3A_223] {strides = array<i32>} : memref<25600xf32, #tpu.memory_space<vmem>>, vector<16xf32>,
      %get3A_225 = vector.shape_cast %get3A_224 : vector<16xf32> to vector<16xf32>
      %add3A_226 = arith.addf %scan3A_177, %get3A_225 : vector<16xf32>
      %mul3A_227 = arith.constant 128 : i32
      %mul3A_228 = arith.muli %scan3A_171, %mul3A_227 : i32
      %add3A_229 = arith.constant 96 : i32
      %add3A_230 = arith.addi %mul3A_228, %add3A_229 : i32
      %get3A_231 = arith.index_cast %add3A_230 : i32 to index
      %get3A_232 = tpu.vector_load %arg6[%get3A_231] {strides = array<i32>} : memref<25600xf32, #tpu.memory_space<vmem>>, vector<16xf32>,
      %get3A_233 = vector.shape_cast %get3A_232 : vector<16xf32> to vector<16xf32>
      %add3A_234 = arith.addf %scan3A_178, %get3A_233 : vector<16xf32>
      %mul3A_235 = arith.constant 128 : i32
      %mul3A_236 = arith.muli %scan3A_171, %mul3A_235 : i32
      %add3A_237 = arith.constant 112 : i32
      %add3A_238 = arith.addi %mul3A_236, %add3A_237 : i32
      %get3A_239 = arith.index_cast %add3A_238 : i32 to index
      %get3A_240 = tpu.vector_load %arg6[%get3A_239] {strides = array<i32>} : memref<25600xf32, #tpu.memory_space<vmem>>, vector<16xf32>,
      %get3A_241 = vector.shape_cast %get3A_240 : vector<16xf32> to vector<16xf32>
      %add3A_242 = arith.addf %scan3A_179, %get3A_241 : vector<16xf32>
      scf.yield %add3A_186, %add3A_194, %add3A_202, %add3A_210, %add3A_218, %add3A_226, %add3A_234, %add3A_242 : vector<16xf32>, vector<16xf32>, vector<16xf32>, vector<16xf32>, vector<16xf32>, vector<16xf32>, vector<16xf32>, vector<16xf32>
    }
    %scan3A_38 = arith.constant 200 : i32
    %mul3A_39 = arith.constant 5.000000e-03 : f32
    %mul3A_40 = vector.broadcast %mul3A_39 : f32 to vector<16xf32>
    %mul3A_41 = arith.mulf %scan3A_37#0, %mul3A_40 : vector<16xf32>
    %neg3A = arith.constant 0.000000e+00 : f32
    %neg3A_42 = vector.broadcast %neg3A : f32 to vector<16xf32>
    %neg3A_43 = arith.subf %neg3A_42, %mul3A_41 : vector<16xf32>
    %exp3A = math.exp %neg3A_43 : vector<16xf32>
    %add3A_44 = arith.constant 1.000000e+00 : f32
    %add3A_45 = vector.broadcast %add3A_44 : f32 to vector<16xf32>
    %add3A_46 = arith.addf %add3A_45, %exp3A : vector<16xf32>
    %div3A = arith.constant 1.000000e+00 : f32
    %div3A_47 = vector.broadcast %div3A : f32 to vector<16xf32>
    %div3A_48 = arith.divf %div3A_47, %add3A_46 : vector<16xf32>
    %swap3A = arith.constant 0 : index
    %swap3A_49 = tpu.vector_load %arg7[%swap3A] {strides = array<i32>} : memref<128xf32, #tpu.memory_space<vmem>>, vector<16xf32>,
    %swap3A_50 = vector.shape_cast %swap3A_49 : vector<16xf32> to vector<16xf32>
    %swap3A_51 = vector.shape_cast %div3A_48 : vector<16xf32> to vector<16xf32>
    tpu.vector_store %arg7[%swap3A], %swap3A_51 {strides = array<i32>} : memref<128xf32, #tpu.memory_space<vmem>>, vector<16xf32>,
    %mul3A_52 = arith.constant 5.000000e-03 : f32
    %mul3A_53 = vector.broadcast %mul3A_52 : f32 to vector<16xf32>
    %mul3A_54 = arith.mulf %scan3A_37#1, %mul3A_53 : vector<16xf32>
    %neg3A_55 = arith.constant 0.000000e+00 : f32
    %neg3A_56 = vector.broadcast %neg3A_55 : f32 to vector<16xf32>
    %neg3A_57 = arith.subf %neg3A_56, %mul3A_54 : vector<16xf32>
    %exp3A_58 = math.exp %neg3A_57 : vector<16xf32>
    %add3A_59 = arith.constant 1.000000e+00 : f32
    %add3A_60 = vector.broadcast %add3A_59 : f32 to vector<16xf32>
    %add3A_61 = arith.addf %add3A_60, %exp3A_58 : vector<16xf32>
    %div3A_62 = arith.constant 1.000000e+00 : f32
    %div3A_63 = vector.broadcast %div3A_62 : f32 to vector<16xf32>
    %div3A_64 = arith.divf %div3A_63, %add3A_61 : vector<16xf32>
    %swap3A_65 = arith.constant 16 : index
    %swap3A_66 = tpu.vector_load %arg7[%swap3A_65] {strides = array<i32>} : memref<128xf32, #tpu.memory_space<vmem>>, vector<16xf32>,
    %swap3A_67 = vector.shape_cast %swap3A_66 : vector<16xf32> to vector<16xf32>
    %swap3A_68 = vector.shape_cast %div3A_64 : vector<16xf32> to vector<16xf32>
    tpu.vector_store %arg7[%swap3A_65], %swap3A_68 {strides = array<i32>} : memref<128xf32, #tpu.memory_space<vmem>>, vector<16xf32>,
    %mul3A_69 = arith.constant 5.000000e-03 : f32
    %mul3A_70 = vector.broadcast %mul3A_69 : f32 to vector<16xf32>
    %mul3A_71 = arith.mulf %scan3A_37#2, %mul3A_70 : vector<16xf32>
    %neg3A_72 = arith.constant 0.000000e+00 : f32
    %neg3A_73 = vector.broadcast %neg3A_72 : f32 to vector<16xf32>
    %neg3A_74 = arith.subf %neg3A_73, %mul3A_71 : vector<16xf32>
    %exp3A_75 = math.exp %neg3A_74 : vector<16xf32>
    %add3A_76 = arith.constant 1.000000e+00 : f32
    %add3A_77 = vector.broadcast %add3A_76 : f32 to vector<16xf32>
    %add3A_78 = arith.addf %add3A_77, %exp3A_75 : vector<16xf32>
    %div3A_79 = arith.constant 1.000000e+00 : f32
    %div3A_80 = vector.broadcast %div3A_79 : f32 to vector<16xf32>
    %div3A_81 = arith.divf %div3A_80, %add3A_78 : vector<16xf32>
    %swap3A_82 = arith.constant 32 : index
    %swap3A_83 = tpu.vector_load %arg7[%swap3A_82] {strides = array<i32>} : memref<128xf32, #tpu.memory_space<vmem>>, vector<16xf32>,
    %swap3A_84 = vector.shape_cast %swap3A_83 : vector<16xf32> to vector<16xf32>
    %swap3A_85 = vector.shape_cast %div3A_81 : vector<16xf32> to vector<16xf32>
    tpu.vector_store %arg7[%swap3A_82], %swap3A_85 {strides = array<i32>} : memref<128xf32, #tpu.memory_space<vmem>>, vector<16xf32>,
    %mul3A_86 = arith.constant 5.000000e-03 : f32
    %mul3A_87 = vector.broadcast %mul3A_86 : f32 to vector<16xf32>
    %mul3A_88 = arith.mulf %scan3A_37#3, %mul3A_87 : vector<16xf32>
    %neg3A_89 = arith.constant 0.000000e+00 : f32
    %neg3A_90 = vector.broadcast %neg3A_89 : f32 to vector<16xf32>
    %neg3A_91 = arith.subf %neg3A_90, %mul3A_88 : vector<16xf32>
    %exp3A_92 = math.exp %neg3A_91 : vector<16xf32>
    %add3A_93 = arith.constant 1.000000e+00 : f32
    %add3A_94 = vector.broadcast %add3A_93 : f32 to vector<16xf32>
    %add3A_95 = arith.addf %add3A_94, %exp3A_92 : vector<16xf32>
    %div3A_96 = arith.constant 1.000000e+00 : f32
    %div3A_97 = vector.broadcast %div3A_96 : f32 to vector<16xf32>
    %div3A_98 = arith.divf %div3A_97, %add3A_95 : vector<16xf32>
    %swap3A_99 = arith.constant 48 : index
    %swap3A_100 = tpu.vector_load %arg7[%swap3A_99] {strides = array<i32>} : memref<128xf32, #tpu.memory_space<vmem>>, vector<16xf32>,
    %swap3A_101 = vector.shape_cast %swap3A_100 : vector<16xf32> to vector<16xf32>
    %swap3A_102 = vector.shape_cast %div3A_98 : vector<16xf32> to vector<16xf32>
    tpu.vector_store %arg7[%swap3A_99], %swap3A_102 {strides = array<i32>} : memref<128xf32, #tpu.memory_space<vmem>>, vector<16xf32>,
    %mul3A_103 = arith.constant 5.000000e-03 : f32
    %mul3A_104 = vector.broadcast %mul3A_103 : f32 to vector<16xf32>
    %mul3A_105 = arith.mulf %scan3A_37#4, %mul3A_104 : vector<16xf32>
    %neg3A_106 = arith.constant 0.000000e+00 : f32
    %neg3A_107 = vector.broadcast %neg3A_106 : f32 to vector<16xf32>
    %neg3A_108 = arith.subf %neg3A_107, %mul3A_105 : vector<16xf32>
    %exp3A_109 = math.exp %neg3A_108 : vector<16xf32>
    %add3A_110 = arith.constant 1.000000e+00 : f32
    %add3A_111 = vector.broadcast %add3A_110 : f32 to vector<16xf32>
    %add3A_112 = arith.addf %add3A_111, %exp3A_109 : vector<16xf32>
    %div3A_113 = arith.constant 1.000000e+00 : f32
    %div3A_114 = vector.broadcast %div3A_113 : f32 to vector<16xf32>
    %div3A_115 = arith.divf %div3A_114, %add3A_112 : vector<16xf32>
    %swap3A_116 = arith.constant 64 : index
    %swap3A_117 = tpu.vector_load %arg7[%swap3A_116] {strides = array<i32>} : memref<128xf32, #tpu.memory_space<vmem>>, vector<16xf32>,
    %swap3A_118 = vector.shape_cast %swap3A_117 : vector<16xf32> to vector<16xf32>
    %swap3A_119 = vector.shape_cast %div3A_115 : vector<16xf32> to vector<16xf32>
    tpu.vector_store %arg7[%swap3A_116], %swap3A_119 {strides = array<i32>} : memref<128xf32, #tpu.memory_space<vmem>>, vector<16xf32>,
    %mul3A_120 = arith.constant 5.000000e-03 : f32
    %mul3A_121 = vector.broadcast %mul3A_120 : f32 to vector<16xf32>
    %mul3A_122 = arith.mulf %scan3A_37#5, %mul3A_121 : vector<16xf32>
    %neg3A_123 = arith.constant 0.000000e+00 : f32
    %neg3A_124 = vector.broadcast %neg3A_123 : f32 to vector<16xf32>
    %neg3A_125 = arith.subf %neg3A_124, %mul3A_122 : vector<16xf32>
    %exp3A_126 = math.exp %neg3A_125 : vector<16xf32>
    %add3A_127 = arith.constant 1.000000e+00 : f32
    %add3A_128 = vector.broadcast %add3A_127 : f32 to vector<16xf32>
    %add3A_129 = arith.addf %add3A_128, %exp3A_126 : vector<16xf32>
    %div3A_130 = arith.constant 1.000000e+00 : f32
    %div3A_131 = vector.broadcast %div3A_130 : f32 to vector<16xf32>
    %div3A_132 = arith.divf %div3A_131, %add3A_129 : vector<16xf32>
    %swap3A_133 = arith.constant 80 : index
    %swap3A_134 = tpu.vector_load %arg7[%swap3A_133] {strides = array<i32>} : memref<128xf32, #tpu.memory_space<vmem>>, vector<16xf32>,
    %swap3A_135 = vector.shape_cast %swap3A_134 : vector<16xf32> to vector<16xf32>
    %swap3A_136 = vector.shape_cast %div3A_132 : vector<16xf32> to vector<16xf32>
    tpu.vector_store %arg7[%swap3A_133], %swap3A_136 {strides = array<i32>} : memref<128xf32, #tpu.memory_space<vmem>>, vector<16xf32>,
    %mul3A_137 = arith.constant 5.000000e-03 : f32
    %mul3A_138 = vector.broadcast %mul3A_137 : f32 to vector<16xf32>
    %mul3A_139 = arith.mulf %scan3A_37#6, %mul3A_138 : vector<16xf32>
    %neg3A_140 = arith.constant 0.000000e+00 : f32
    %neg3A_141 = vector.broadcast %neg3A_140 : f32 to vector<16xf32>
    %neg3A_142 = arith.subf %neg3A_141, %mul3A_139 : vector<16xf32>
    %exp3A_143 = math.exp %neg3A_142 : vector<16xf32>
    %add3A_144 = arith.constant 1.000000e+00 : f32
    %add3A_145 = vector.broadcast %add3A_144 : f32 to vector<16xf32>
    %add3A_146 = arith.addf %add3A_145, %exp3A_143 : vector<16xf32>
    %div3A_147 = arith.constant 1.000000e+00 : f32
    %div3A_148 = vector.broadcast %div3A_147 : f32 to vector<16xf32>
    %div3A_149 = arith.divf %div3A_148, %add3A_146 : vector<16xf32>
    %swap3A_150 = arith.constant 96 : index
    %swap3A_151 = tpu.vector_load %arg7[%swap3A_150] {strides = array<i32>} : memref<128xf32, #tpu.memory_space<vmem>>, vector<16xf32>,
    %swap3A_152 = vector.shape_cast %swap3A_151 : vector<16xf32> to vector<16xf32>
    %swap3A_153 = vector.shape_cast %div3A_149 : vector<16xf32> to vector<16xf32>
    tpu.vector_store %arg7[%swap3A_150], %swap3A_153 {strides = array<i32>} : memref<128xf32, #tpu.memory_space<vmem>>, vector<16xf32>,
    %mul3A_154 = arith.constant 5.000000e-03 : f32
    %mul3A_155 = vector.broadcast %mul3A_154 : f32 to vector<16xf32>
    %mul3A_156 = arith.mulf %scan3A_37#7, %mul3A_155 : vector<16xf32>
    %neg3A_157 = arith.constant 0.000000e+00 : f32
    %neg3A_158 = vector.broadcast %neg3A_157 : f32 to vector<16xf32>
    %neg3A_159 = arith.subf %neg3A_158, %mul3A_156 : vector<16xf32>
    %exp3A_160 = math.exp %neg3A_159 : vector<16xf32>
    %add3A_161 = arith.constant 1.000000e+00 : f32
    %add3A_162 = vector.broadcast %add3A_161 : f32 to vector<16xf32>
    %add3A_163 = arith.addf %add3A_162, %exp3A_160 : vector<16xf32>
    %div3A_164 = arith.constant 1.000000e+00 : f32
    %div3A_165 = vector.broadcast %div3A_164 : f32 to vector<16xf32>
    %div3A_166 = arith.divf %div3A_165, %add3A_163 : vector<16xf32>
    %swap3A_167 = arith.constant 112 : index
    %swap3A_168 = tpu.vector_load %arg7[%swap3A_167] {strides = array<i32>} : memref<128xf32, #tpu.memory_space<vmem>>, vector<16xf32>,
    %swap3A_169 = vector.shape_cast %swap3A_168 : vector<16xf32> to vector<16xf32>
    %swap3A_170 = vector.shape_cast %div3A_166 : vector<16xf32> to vector<16xf32>
    tpu.vector_store %arg7[%swap3A_167], %swap3A_170 {strides = array<i32>} : memref<128xf32, #tpu.memory_space<vmem>>, vector<16xf32>,
    "tpu.region"() ({
      %run_scoped3A = tpu.sem_alloc : memref<!tpu.dma_semaphore, #tpu.memory_space<semaphore_mem>>
      %dma_start3A_171 = tpu.memref_slice %arg4[%mul3A_2] : memref<4096xf32, #tpu.memory_space<hbm>> -> memref<128xf32, #tpu.memory_space<hbm>>
      %dma_start3A_172 = tpu.memref_slice %arg4[%mul3A_2] : memref<4096xf32, #tpu.memory_space<hbm>> -> memref<128xf32, #tpu.memory_space<hbm>>
      tpu.enqueue_dma source(%arg7 : memref<128xf32, #tpu.memory_space<vmem>>) target(%dma_start3A_172 : memref<128xf32, #tpu.memory_space<hbm>>) target_semaphore(%run_scoped3A : memref<!tpu.dma_semaphore, #tpu.memory_space<semaphore_mem>>)
      %dma_wait3A_173 = tpu.memref_slice %arg4[%mul3A_2] : memref<4096xf32, #tpu.memory_space<hbm>> -> memref<128xf32, #tpu.memory_space<hbm>>
      %dma_wait3A_174 = tpu.memref_slice %arg4[%mul3A_2] : memref<4096xf32, #tpu.memory_space<hbm>> -> memref<128xf32, #tpu.memory_space<hbm>>
      tpu.wait_dma2 semaphore(%run_scoped3A : memref<!tpu.dma_semaphore, #tpu.memory_space<semaphore_mem>>) src(%arg7 : memref<128xf32, #tpu.memory_space<vmem>>) dst(%dma_wait3A_174 : memref<128xf32, #tpu.memory_space<hbm>>)
      tpu.yield
    }) : () -> ()
    return
  }
}

module attributes {stable_mosaic.version = 14 : i64} {
  func.func @_proj_body(%arg0: i32, %arg1: memref<64x36864xf32, #tpu.memory_space<vmem>>, %arg2: memref<1x64xf32, #tpu.memory_space<vmem>>, %arg3: memref<1x1xf32, #tpu.memory_space<smem>>, %arg4: memref<36864xf32, #tpu.memory_space<vmem>>) attributes {dimension_semantics = [#tpu.dimension_semantics<arbitrary>], iteration_bounds = array<i64: 28>, scalar_prefetch = 0 : i64, scratch_operands = 0 : i64, tpu.core_type = #tpu.core_type<tc>, window_params = [{transform_indices = @transform_0, window_bounds = array<i64: 64, 36864>}, {pipeline_mode = #tpu.pipeline_mode<synchronous>, transform_indices = @transform_1, window_bounds = array<i64: 1, 64>}, {transform_indices = @transform_2, window_bounds = array<i64: 1, 1>}, {transform_indices = @transform_3, window_bounds = array<i64: 36864>}]} {
    %get3A = arith.constant 0 : index
    %get3A_0 = arith.constant 0 : index
    %get3A_1 = vector.load %arg2[%get3A, %get3A_0] : memref<1x64xf32, #tpu.memory_space<vmem>>, vector<1x64xf32>
    %get3A_2 = arith.constant 0 : index
    %get3A_3 = arith.constant 0 : index
    %get3A_4 = vector.load %arg1[%get3A_2, %get3A_3] : memref<64x36864xf32, #tpu.memory_space<vmem>>, vector<64x36864xf32>
    %dot_general3A = arith.constant dense<0.000000e+00> : vector<1x36864xf32>
    %dot_general3A_5 = tpu.matmul %get3A_1, %get3A_4, %dot_general3A {dimension_numbers = #tpu.dot_dimension_numbers<[1], [0], [0], [1], [0, 0, 1, 1], [], []>, transpose_lhs_hint = false} : vector<1x64xf32>, vector<64x36864xf32>, vector<1x36864xf32> -> vector<1x36864xf32>
    %get3A_6 = arith.constant 0 : index
    %get3A_7 = arith.constant 0 : index
    %get3A_8 = memref.load %arg3[%get3A_6, %get3A_7] : memref<1x1xf32, #tpu.memory_space<smem>>
    %add3A = vector.broadcast %get3A_8 : f32 to vector<1x36864xf32>
    %add3A_9 = arith.addf %dot_general3A_5, %add3A : vector<1x36864xf32>
    %squeeze3A = vector.shape_cast %add3A_9 : vector<1x36864xf32> to vector<36864xf32>
    %swap3A = arith.constant 0 : index
    %swap3A_10 = vector.load %arg4[%swap3A] : memref<36864xf32, #tpu.memory_space<vmem>>, vector<36864xf32>
    tpu.vector_store %arg4[%swap3A], %squeeze3A {strides = array<i32>} : memref<36864xf32, #tpu.memory_space<vmem>>, vector<36864xf32>,
    return
  }
  func.func @transform_0(%arg0: i32) -> (i32, i32) {
    %c0_i32 = arith.constant 0 : i32
    %c0_i32_0 = arith.constant 0 : i32
    return %c0_i32, %arg0 : i32, i32
  }
  func.func @transform_1(%arg0: i32) -> (i32, i32) {
    %c0_i32 = arith.constant 0 : i32
    %c0_i32_0 = arith.constant 0 : i32
    %c0_i32_1 = arith.constant 0 : i32
    return %c0_i32, %c0_i32_0 : i32, i32
  }
  func.func @transform_2(%arg0: i32) -> (i32, i32) {
    %c0_i32 = arith.constant 0 : i32
    %c0_i32_0 = arith.constant 0 : i32
    %c0_i32_1 = arith.constant 0 : i32
    return %c0_i32, %c0_i32_0 : i32, i32
  }
  func.func @transform_3(%arg0: i32) -> i32 {
    %c0_i32 = arith.constant 0 : i32
    return %arg0 : i32
  }
}

</mosaic_0001>

<sc_bundles>
// kernel: kernel.4.cloned.1.call-start
scs
__scs_entry_jumppad:
0x0: {  	(pc) =	sbr.rel $0x88, $3  }
0x1: {  	(tag) =	ssettag $0x0;
	lr =	simm.s32 $0x1  }
0x2: {  	[smem:$0x3F9D] =	sst lr;
	_ =	strace $0xD0000000  }
0x3: {  	_ = 	snop  }
0x4: {  	_ = 	snop  }
0x5: {  	_ = 	snop  }
0x6: {  	_ = 	snop  }
0x7: {  	_ = 	snop  }
__scs_overlays_trampoline_lowered:
0x8: {  	[smem:$0x3FAC] =	sst s0  }
0x9: {  	[smem:$0x3FAD] =	sst s1  }
0xa: {  	[smem:$0x3FAE] =	sst s2  }
0xb: {  	[smem:$0x3FAF] =	sst s3  }
0xc: {  	[smem:$0x3FB0] =	sst s4  }
0xd: {  	[smem:$0x3FB1] =	sst s5  }
0xe: {  	[smem:$0x3FB2] =	sst s6  }
0xf: {  	[smem:$0x3FB3] =	sst s7  }
0x10: {  	[smem:$0x3FB4] =	sst s8  }
0x11: {  	[smem:$0x3FB5] =	sst s9;
	s0 =	simm.s32 @!p0 $0x0  }
0x12: {  	s1 =	sld [smem:$0x3F9B];
	s0 =	simm.s32 @p0 $0x1  }
0x13: {  	[smem:$0x3FB6] =	sst s0;
	s0 =	simm.s32 @!p1 $0x0  }
0x14: {  	s2 =	sld [smem:$0x3F9A];
	s0 =	simm.s32 @p1 $0x1  }
0x15: {  	[smem:$0x3FB7] =	sst s0;
	s0 =	simm.s32 @!p2 $0x0  }
0x16: {  	s3 =	sld [smem:$0x3FDB];
	s0 =	simm.s32 @p2 $0x1  }
0x17: {  	s4 =	simm.s32 $0x1BF5;
	[smem:$0x3FB9] =	sst s0  }
0x18: {  	s0 =	sld [smem:$0x3F9C];
	_ =	swait.ge [sflag:s4], $0x0  }
0x19: {  	s7 =	sld [smem:$0x3F9D]  }
0x1a: {  	s8 =	sadd.s32 $0xFFFFE003, lr  }
0x1b: {  	s9 =	sadd.s32 $0xFFFFFEF7, lr;
	s5 =	simm.s32 $0xFFFFFFFF;
	p2 =	slt.u32 s8, $0xFFFFF086  }
0x1c: {  	p1 =	slt.u32 s9, $0xF7A;
	s5 =	simm.s32 @!p2 $0x0  }
0x1d: {  	s5 =	simm.s32 @p1 $0x1;
	p0 =	seq.s32 s7, s2  }
0x1e: {  	s7 =	smul.u32 @!p0 $0xF7A, s2;
	p2 =	seq.s32 @!p0 s5, $0x0  }
0x1f: {  	s9 =	smul.u32 $0xF7A, s1;
	s8 =	simm.s32 @!p0 $0x1BF5;
	p2 =	por !p2, p0  }
0x20: {  	[sflag:s8] =	ssyncset.s32 @!p0 $0xFFFFF086;
	s6 =	sadd.s32 @!p0 s3, s7;
	s7 =	simm.s32 @!p0 $0x108  }
0x21: {  	s3 =	sadd.s32 s3, s9;
	s6 =	sadd.s32 @!p0 $0x88, s6;
	s7 =	simm.s32 @p2 $0x1082  }
0x22: {  	[simem:s7], [sflag:s8] =	dma.local @!p0 [hbm:s6], $0xF7A  }
0x23: {  	s9 =	sor.u32 $0xD0000000, s2;
	s6 =	simm.s32 $0x108;
	_ =	swait.ge @!p0 [sflag:s8], $0x0  }
0x24: {  	s3 =	sadd.s32 $0x88, s3;
	s6 =	simm.s32 @!p1 $0x1082;
	[sflag:s4] =	ssyncset.s32 $0xFFFFF086  }
0x25: {  	[simem:s6], [sflag:s4] =	dma.local [hbm:s3], $0xF7A  }
0x26: {  	[smem:$0x3F9D] =	sst s1;
	(tag) =	ssettag s2;
	_ =	strace s9  }
0x27: {  	s1 =	sld [smem:$0x3FAD]  }
0x28: {  	s2 =	sld [smem:$0x3FAE]  }
0x29: {  	s4 =	sld [smem:$0x3FB0]  }
0x2a: {  	p0 =	seq.s32 s5, $0x0;
	s5 =	sld [smem:$0x3FB1]  }
0x2b: {  	s6 =	sld [smem:$0x3FB2]  }
0x2c: {  	s7 =	sld [smem:$0x3FB3]  }
0x2d: {  	s3 =	simm.s32 $0x108;
	s8 =	sld [smem:$0x3FB4]  }
0x2e: {  	s3 =	simm.s32 @!p0 $0x1082;
	s9 =	sld [smem:$0x3FB5]  }
0x2f: {  	lr =	sadd.s32 s0, s3;
	s0 =	sld [smem:$0x3FAC]  }
0x30: {  	s3 =	sld [smem:$0x3FAF]  }
0x31: {  	[smem:$0x3FB8] =	sst s10  }
0x32: {  	s10 =	sld [smem:$0x3FB6];
	_ =	sdelay $0x3  }
0x33: {  	p0 =	seq.s32 s10, $0x1;
	s10 =	sld [smem:$0x3FB8];
	_ =	sdelay $0x3  }
0x34: {  	[smem:$0x3FB8] =	sst s10  }
0x35: {  	s10 =	sld [smem:$0x3FB7];
	_ =	sdelay $0x3  }
0x36: {  	p1 =	seq.s32 s10, $0x1;
	s10 =	sld [smem:$0x3FB8];
	_ =	sdelay $0x3  }
0x37: {  	[smem:$0x3FB8] =	sst s10  }
0x38: {  	s10 =	sld [smem:$0x3FB9]  }
0x39: {  	_ = 	snop;
	(pc) =	sbr.ind lr, $3  }
0x3a: {  	_ = 	snop  }
0x3b: {  	_ = 	snop  }
0x3c: {  	p2 =	seq.s32 s10, $0x1;
	s10 =	sld [smem:$0x3FB8]  }
0x3d: {  	_ =	shalt  }
0x3e: {  	_ =	shalt  }
0x3f: {  	_ =	shalt  }
0x40: {  	_ =	shalt  }
0x41: {  	_ =	shalt  }
0x42: {  	_ =	shalt  }
0x43: {  	_ =	shalt  }
0x44: {  	_ =	shalt  }
0x45: {  	_ =	shalt  }
0x46: {  	_ =	shalt  }
0x47: {  	_ =	shalt  }
0x48: {  	_ =	shalt  }
0x49: {  	_ =	shalt  }
0x4a: {  	_ =	shalt  }
0x4b: {  	_ =	shalt  }
0x4c: {  	_ =	shalt  }
0x4d: {  	_ =	shalt  }
0x4e: {  	_ =	shalt  }
0x4f: {  	_ =	shalt  }
0x50: {  	_ =	shalt  }
0x51: {  	_ =	shalt  }
0x52: {  	_ =	shalt  }
0x53: {  	_ =	shalt  }
0x54: {  	_ =	shalt  }
0x55: {  	_ =	shalt  }
0x56: {  	_ =	shalt  }
0x57: {  	_ =	shalt  }
0x58: {  	_ =	shalt  }
0x59: {  	_ =	shalt  }
0x5a: {  	_ =	shalt  }
0x5b: {  	_ =	shalt  }
0x5c: {  	_ =	shalt  }
0x5d: {  	_ =	shalt  }
0x5e: {  	_ =	shalt  }
0x5f: {  	_ =	shalt  }
0x60: {  	_ =	shalt  }
0x61: {  	_ =	shalt  }
0x62: {  	_ =	shalt  }
0x63: {  	_ =	shalt  }
0x64: {  	_ =	shalt  }
0x65: {  	_ =	shalt  }
0x66: {  	_ =	shalt  }
0x67: {  	_ =	shalt  }
0x68: {  	_ =	shalt  }
0x69: {  	_ =	shalt  }
0x6a: {  	_ =	shalt  }
0x6b: {  	_ =	shalt  }
0x6c: {  	_ =	shalt  }
0x6d: {  	_ =	shalt  }
0x6e: {  	_ =	shalt  }
0x6f: {  	_ =	shalt  }
0x70: {  	_ =	shalt  }
0x71: {  	_ =	shalt  }
0x72: {  	_ =	shalt  }
0x73: {  	_ =	shalt  }
0x74: {  	_ =	shalt  }
0x75: {  	_ =	shalt  }
0x76: {  	_ =	shalt  }
0x77: {  	_ =	shalt  }
0x78: {  	_ =	shalt  }
0x79: {  	_ =	shalt  }
0x7a: {  	_ =	shalt  }
0x7b: {  	_ =	shalt  }
0x7c: {  	_ =	shalt  }
0x7d: {  	_ =	shalt  }
0x7e: {  	_ =	shalt  }
0x7f: {  	_ =	shalt  }
0x80: {  	_ =	shalt  }
0x81: {  	_ =	shalt  }
0x82: {  	_ =	shalt  }
0x83: {  	_ =	shalt  }
0x84: {  	_ =	shalt  }
0x85: {  	_ =	shalt  }
0x86: {  	_ =	shalt  }
0x87: {  	_ =	shalt  }
.Lfunc_end0:
.L_simem_size_0:
called_computation_lowered:
.L_overlay_start_0:
0x88: {  	s2 =	sld [smem:$0x3FD9]  }
0x89: {  	s3 =	sld [smem:$0x3FFE];
	_ =	sdelay $0x1  }
0x8a: {  	s1 =	srdreg.scid  }
0x8b: {  	s0 =	sand.u32 $0x1, s1  }
0x8c: {  	s17 =	sshll.u32 s0, $0xA;
	s2 =	sadd.s32 s3, s2  }
0x8d: {  	s2 =	sadd.s32 s2, s17  }
0x8e: {  	[smem:$0x3FC4] =	sst s2  }
0x8f: {  	_ = 	snop  }
0x90: {  	s2 =	sld [smem:$0x3FC9]  }
0x91: {  	s18 =	sld [smem:$0x3FD0];
	(tm) =	ssettm $0x1  }
0x92: {  	s4 =	sld [smem:$0x3FFB];
	_ =	sdelay $0x3  }
0x93: {  	_ =	strace s4  }
0x94: {  	s4 =	sld [smem:$0x3FFC];
	_ =	sdelay $0x3  }
0x95: {  	_ =	strace s4  }
0x96: {  	s4 =	sld [smem:$0x3FFD];
	_ =	sdelay $0x3  }
0x97: {  	_ =	strace s4  }
0x98: {  	_ =	strace $0x8FFFFFFF  }
0x99: {  	s19 =	sld [smem:$0x3FDB];
	_ =	sdelay $0x1  }
0x9a: {  	s5 =	simm.s32 $_scs_section_size  }
0x9b: {  	s6 =	simm.s32 $_size__tile_overlayer_lowered;
	s7 =	simm.s32 $_tile_overlayer_lowered  }
0x9c: {  	s22 =	simm.s32 $0x1BFF;
	s21 =	sshll.u32 s7, $0x1;
	s4 =	sadd.s32 s5, s19  }
0x9d: {  	s8 =	simm.s32 $0x0;
	s20 =	sshll.u32 s6, $0x1;
	s6 =	sadd.s32 s21, s4  }
0x9e: {  	[timem:s8], [sflag:s22] =	dma.local [hbm:s6], s20  }
0x9f: {  	_ =	swait.ge [sflag:s22], s20  }
0xa0: {  	s5 =	ssub.s32 $0x0, s20;
	[sflag:s22] =	ssyncset.done $0x0  }
0xa1: {  	[sflag:s22] =	ssyncadd.s32 s5;
	_ =	sdelay $0x1  }
0xa2: {  	s23 =	simm.s32 $0x1B8B  }
0xa3: {  	_ =	swait.ge [sflag:s23], $0x1  }
0xa4: {  	[sflag:s23] =	ssyncset.done $0x0  }
0xa5: {  	s25 =	simm.s32 $0x1B8E;
	s24 =	sld [smem:$0x3FFE];
	[sflag:s23] =	ssyncadd.s32 $0xFFFFFFFF  }
0xa6: {  	s26 =	simm.s32 $execute0_lowered;
	[smem:$0x3FD2] =	sst s25  }
0xa7: {  	s6 =	sshll.u32 s26, $0x1;
	_ =	strace $0x80000046;
	[dreg:$0x1] =	wrdreg $0xFFFFFFFF  }
0xa8: {  	s28 =	simm.s32 $_size_execute0_lowered;
	s4 =	sadd.s32 s4, s6;
	[dreg:$0x0] =	wrdreg $0x0  }
0xa9: {  	s6 =	sshll.u32 s28, $0x1;
	[dreg:$0x2] =	wrdreg s4  }
0xaa: {  	[dreg:$0x3] =	wrdreg s6  }
0xab: {  	[dreg:$0x4] =	wrdreg $0xC0  }
0xac: {  	_ =	task [dreg:s8], $0x5FFFF  }
0xad: {  	[dreg:$0x1] =	wrdreg $0xFFFFFFFF  }
0xae: {  	[dreg:$0x0] =	wrdreg $0x60  }
0xaf: {  	[dreg:$0x2] =	wrdreg s2  }
0xb0: {  	[dreg:$0x3] =	wrdreg s24  }
0xb1: {  	[dreg:$0x4] =	wrdreg s18  }
0xb2: {  	[dreg:$0x5] =	wrdreg $0xC8800  }
0xb3: {  	[dreg:$0x6] =	wrdreg $0x9  }
0xb4: {  	_ =	task.clear_ibuf [dreg:s8], $0x7FFFF;
	_ =	strace $0x90000046  }
0xb5: {  	s29 =	simm.s32 $0x9;
	_ =	strace $0x80000048  }
0xb6: {  	_ =	swait.ge [sflag:s29], $0x1  }
0xb7: {  	[sflag:s29] =	ssyncadd.s32 $0xFFFFFFFF  }
0xb8: {  	_ =	strace $0x90000048  }
0xb9: {  	_ =	sfence  }
0xba: {  	s30 =	sld [smem:$0x0];
	_ =	sdelay $0x2  }
0xbb: {  	s31 =	sshll.u32 s1, $0xD;
	s1 =	sshrl.u32 s1, $0x2  }
0xbc: {  	s3 =	sand.u32 $0x4000, s31;
	s1 =	sadd.s32 s1, s30  }
0xbd: {  	s0 =	sor.u32 s3, s0;
	s1 =	sshll.u32 s1, $0x11  }
0xbe: {  	s0 =	sor.u32 s1, s0  }
0xbf: {  	s0 =	sadd.s32 $0x8F2B, s0  }
0xc0: {  	[sflag:s0] =	ssyncadd.remote.s32 $0x1  }
0xc1: {  	_ =	sfence.sel $0xFFFF  }
0xc2: {  	[dreg:$0x0] =	wrdreg $0xFFFFFFFF;
	(pc) =	sbr.abs _section_cstart, $3  }
0xc3: {  	[dreg:$0x1] =	wrdreg $0xFFFFFFFF  }
0xc4: {  	_ =	task.clear_ibuf [dreg:s8], $0x2FFFF;
	_ =	strace $0x9FFFFFFF  }
0xc5: {  	(tm) =	ssettm $0x7FFFFFFF  }
tec
execute0_lowered:
.L_overlay_start_1:
0x0: {  	(tag) =	ssettag $0x1  }
0x1: {  	s6 =	rddreg [dreg:$0x0]  }
0x2: {  	s4 =	rddreg [dreg:$0x1]  }
0x3: {  	s7 =	rddreg [dreg:$0x2]  }
0x4: {  	s2 =	rddreg [dreg:$0x3];
	s0 =	stileid.u32  }
0x5: {  	s8 =	srdreg.scid;
	s1 =	rddreg [dreg:$0x4]  }
0x6: {  	s3 =	simm.s32 $0x0;
	s12 =	simm.s32 $0x3;
	s13 =	simm.s32 $0x2  }
0x7: {  	s14 =	simm.s32 $0x80;
	s15 =	simm.s32 $0x1;
	s16 =	simm.s32 $0xC800  }
0x8: {  	s17 =	simm.s32 $0x0;
	s5 =	smul.u32 $0xFC00, s0;
	s8 =	sand.u32 $0x1, s8  }
0x9: {  	[smem:$0x7FF] =	sst s3;
	s30 =	sshll.u32 s0, $0x1;
	s11 =	sshll.u32 s0, $0x6  }
0xa: {  	s10 =	ssub.s32 $0x2, s8;
	_ =	strace $0x80000047;
	s8 =	sor.u32 s8, s30  }
0xb: {  	s9 =	sshrl.u32 s5, $0x3;
	s28 =	sshrl.u32 s10, $0x1;
	s29 =	sadd.s32 s5, s2  }
0xc: {  	s5 =	sor.u32 $0x1C02, s11;
	s31 =	sshll.u32 s8, $0x7;
	s8 =	sshll.u32 s8, $0x4  }
0xd: {  	s11 =	simm.s32 $0x8000;
	s4 =	sadd.s32 s9, s4;
	s9 =	ssub.s32 s10, s28  }
0xe: {  	s6 =	sadd.s32 s6, s31;
	s7 =	sadd.s32 s7, s8;
	s10 =	simm.s32 $0x400  }
0xf: {  	s4 =	sadd.s32 $0x800, s4;
	s8 =	smax.u32 s9, $0x1;
	s9 =	sshrl.u32 s29, $0x3  }
.LBB2_1:
0x10: {  	[spmem:s9], [sflag:s5] =	dma.local [hbm:s4], $0x1F80  }
0x11: {  	[tilespmem:s3], [sflag:$0x3] =	stream.strided.gather [hbm4b:s6+s10], $0x6400, s11, s10, $0x38;
	[tilespmem:$0x1C480] =	vst v63  }
0x12: {  	_ =	swait.ge [sflag:s12], $0x6400  }
0x13: {  	[sflag:s12] =	ssyncset.done $0x0  }
0x14: {  	[sflag:s12] =	ssyncadd.s32 $0xFFFF9C00  }
0x15: {  	_ =	swait.ge [sflag:s13], $0x1F80  }
0x16: {  	[sflag:s13] =	ssyncset.done $0x0  }
0x17: {  	s18 =	simm.s32 $0x0;
	s19 =	simm.s32 $0x6400;
	[sflag:s13] =	ssyncadd.s32 $0xFFFFE080  }
0x18: {  	s28 =	simm.s32 $0x6480;
	s29 =	simm.s32 $0x80;
	[bflag:$0x0] =	sbarrier.arrive $0xFFFF  }
0x19: {  	[tilespmem:s19], [sflag:$0x1] =	stream.indirect.gather [spmem:s2], $0x1, s18, s14, $0xb8;
	[tilespmem:$0x1C480] =	vst v63  }
0x1a: {  	s30 =	simm.s32 $0x6500;
	s31 =	simm.s32 $0x100;
	s20 =	simm.s32 $0x6580  }
0x1b: {  	[tilespmem:s28], [sflag:$0x1] =	stream.indirect.gather [spmem:s2], $0x1, s29, s14, $0xb8;
	[tilespmem:$0x1C480] =	vst v63  }
0x1c: {  	s21 =	simm.s32 $0x180;
	s18 =	simm.s32 $0x200;
	s19 =	simm.s32 $0x1000  }
0x1d: {  	[tilespmem:s30], [sflag:$0x1] =	stream.indirect.gather [spmem:s2], $0x1, s31, s14, $0xb8;
	[tilespmem:$0x1C480] =	vst v63  }
.LBB2_2:
0x1e: {  	[tilespmem:s20], [sflag:$0x1] =	stream.indirect.gather [spmem:s2], $0x1, s21, s14, $0xb8;
	[tilespmem:$0x1C480] =	vst v63  }
0x1f: {  	s20 =	smov.u32 s19;
	s23 =	sadd.s32 $0x800, s19  }
0x20: {  	p0 =	sne.s32 s19, $0x18800;
	s22 =	sshra.s32 s20, $0x2;
	s20 =	sadd.s32 $0x6400, s18  }
0x21: {  	[tilespmem:s20], [sflag:$0x1] =	stream.indirect.gather [spmem:s2], $0x1, s18, s14, $0xb8;
	[tilespmem:$0x1C480] =	vst v63  }
.Ltmp0:
0x22: {  	s21 =	sadd.s32 $0x80, s18;
	s20 =	sadd.s32 $0x6480, s18;
	(pc) =	sbr.rel @p0 .LBB2_2-.Ltmp0, $4  }
0x23: {  	[tilespmem:s20], [sflag:$0x1] =	stream.indirect.gather [spmem:s2], $0x1, s21, s14, $0xb8;
	[tilespmem:$0x1C480] =	vst v63  }
0x24: {  	s19 =	sadd.s32 $0x6500, s18;
	s20 =	sadd.s32 $0x100, s18;
	s21 =	sadd.s32 $0x180, s18  }
0x25: {  	[tilespmem:s19], [sflag:$0x1] =	stream.indirect.gather [spmem:s2], $0x1, s20, s14, $0xb8;
	[tilespmem:$0x1C480] =	vst v63  }
0x26: {  	s20 =	sadd.s32 $0x6580, s18;
	s18 =	smov.u32 s22;
	s19 =	smov.u32 s23  }
0x27: {  	[tilespmem:s20], [sflag:$0x1] =	stream.indirect.gather [spmem:s2], $0x1, s21, s14, $0xb8;
	[tilespmem:$0x1C480] =	vst v63  }
0x28: {  	s19 =	sadd.s32 $0x6400, s18  }
0x29: {  	[tilespmem:s19], [sflag:$0x1] =	stream.indirect.gather [spmem:s2], $0x1, s18, s14, $0xb8;
	[tilespmem:$0x1C480] =	vst v63  }
0x2a: {  	s24 =	sadd.s32 $0x6480, s18;
	s25 =	sadd.s32 $0x80, s18  }
0x2b: {  	[tilespmem:s24], [sflag:$0x1] =	stream.indirect.gather [spmem:s2], $0x1, s25, s14, $0xb8;
	[tilespmem:$0x1C480] =	vst v63  }
0x2c: {  	s26 =	sadd.s32 $0x6500, s18;
	s28 =	sadd.s32 $0x100, s18  }
0x2d: {  	[tilespmem:s26], [sflag:$0x1] =	stream.indirect.gather [spmem:s2], $0x1, s28, s14, $0xb8;
	[tilespmem:$0x1C480] =	vst v63  }
0x2e: {  	s29 =	sadd.s32 $0x6580, s18;
	s30 =	sadd.s32 $0x180, s18  }
0x2f: {  	[tilespmem:s29], [sflag:$0x1] =	stream.indirect.gather [spmem:s2], $0x1, s30, s14, $0xb8;
	[tilespmem:$0x1C480] =	vst v63  }
0x30: {  	_ =	swait.ge [sflag:s15], $0x6400  }
0x31: {  	[sflag:s15] =	ssyncset.done $0x0  }
0x32: {  	s31 =	simm.s32 $0x0;
	[sflag:s15] =	ssyncadd.s32 $0xFFFF9C00  }
0x33: {  	v0 =	vld [tilespmem:s31+$0x6470]  }
0x34: {  	v1 =	vld [tilespmem:s31+$0x6400]  }
0x35: {  	v2 =	vld [tilespmem:s31+$0x6410]  }
0x36: {  	v10 =	vld [tilespmem:s31+$0x6420]  }
0x37: {  	v8 =	vld [tilespmem:s31+$0x6430]  }
0x38: {  	v9 =	vimm.f32 $0.0e+00;
	v7 =	vimm.f32 $0.0e+00;
	v5 =	vld [tilespmem:s31+$0x6440]  }
0x39: {  	v6 =	vimm.f32 $0.0e+00;
	v3 =	vimm.f32 $0.0e+00;
	v4 =	vld [tilespmem:s31+$0x6450];
	v0 =	vadd.f32 v0, v9  }
0x3a: {  	s18 =	simm.s32 $0x80;
	s19 =	simm.s32 $0x400;
	v12 =	vadd.f32 v1, v9;
	v11 =	vadd.f32 v2, v9;
	v2 =	vld [tilespmem:s31+$0x6460];
	v1 =	vimm.f32 $0.0e+00  }
.LBB2_4:
0x3b: {  	p0 =	sne.s32 s19, $0x18E00;
	v13 =	vld [tilespmem:s18+$0x6470];
	v9 =	vadd.f32 v10, v9  }
0x3c: {  	v14 =	vld [tilespmem:s18+$0x6400];
	v7 =	vadd.f32 v8, v7  }
0x3d: {  	v15 =	vld [tilespmem:s18+$0x6410];
	v6 =	vadd.f32 v5, v6  }
.Ltmp1:
0x3e: {  	v10 =	vld [tilespmem:s18+$0x6420];
	v3 =	vadd.f32 v4, v3;
	(pc) =	sbr.rel @p0 .LBB2_4-.Ltmp1, $4  }
0x3f: {  	v8 =	vld [tilespmem:s18+$0x6430];
	v1 =	vadd.f32 v2, v1  }
0x40: {  	v5 =	vld [tilespmem:s18+$0x6440];
	v0 =	vadd.f32 v13, v0  }
0x41: {  	v12 =	vadd.f32 v14, v12;
	v4 =	vld [tilespmem:s18+$0x6450]  }
0x42: {  	v11 =	vadd.f32 v15, v11;
	v2 =	vld [tilespmem:s18+$0x6460];
	s18 =	sshra.s32 s19, $0x2;
	s19 =	sadd.s32 $0x200, s19  }
0x43: {  	v13 =	vld [tilespmem:s18+$0x6400];
	_ =	sdelay $0x4  }
0x44: {  	v12 =	vadd.f32 v13, v12;
	_ =	sdelay $0x1  }
0x45: {  	v12 =	vmul.f32 $4.999999890e-03, v12;
	_ =	sdelay $0x1  }
0x46: {  	v12 =	vsub.f32 $0.0e+00, v12;
	_ =	sdelay $0x1  }
0x47: {  	v12 =	vmul.f32 $1.442695020e+00, v12;
	_ =	sdelay $0x1  }
0x48: {  	v47 =	vld [tilespmem:s18+$0x6410];
	(erf) = vpow2.f32 v12;
	_ =	sdelay $0x4  }
0x49: {  	v11 =	vadd.f32 v47, v11;
	_ =	sdelay $0x1  }
0x4a: {  	v11 =	vmul.f32 $4.999999890e-03, v11;
	_ =	sdelay $0x1  }
0x4b: {  	v11 =	vsub.f32 $0.0e+00, v11;
	v12 =	vpop (erf)  }
0x4c: {  	v12 =	vadd.f32 $1.000000000e+00, v12  }
0x4d: {  	v11 =	vmul.f32 $1.442695020e+00, v11  }
0x4e: {  	(erf) = vrcp.f32 v12  }
0x4f: {  	v48 =	vld [tilespmem:s18+$0x6420];
	(erf) = vpow2.f32 v11;
	_ =	sdelay $0x2  }
0x50: {  	v9 =	vadd.f32 v10, v9;
	_ =	sdelay $0x1  }
0x51: {  	v9 =	vadd.f32 v48, v9;
	_ =	sdelay $0x1  }
0x52: {  	v9 =	vmul.f32 $4.999999890e-03, v9  }
0x53: {  	v49 =	vpop (erf)  }
0x54: {  	v9 =	vsub.f32 $0.0e+00, v9;
	v11 =	vpop (erf)  }
0x55: {  	v11 =	vadd.f32 $1.000000000e+00, v11  }
0x56: {  	v9 =	vmul.f32 $1.442695020e+00, v9  }
0x57: {  	(erf) = vrcp.f32 v11  }
0x58: {  	v50 =	vld [tilespmem:s18+$0x6430];
	(erf) = vpow2.f32 v9;
	_ =	sdelay $0x2  }
0x59: {  	v7 =	vadd.f32 v8, v7;
	_ =	sdelay $0x1  }
0x5a: {  	v7 =	vadd.f32 v50, v7;
	_ =	sdelay $0x1  }
0x5b: {  	v7 =	vmul.f32 $4.999999890e-03, v7  }
0x5c: {  	v51 =	vpop (erf)  }
0x5d: {  	v7 =	vsub.f32 $0.0e+00, v7;
	v9 =	vpop (erf)  }
0x5e: {  	v9 =	vadd.f32 $1.000000000e+00, v9  }
0x5f: {  	v7 =	vmul.f32 $1.442695020e+00, v7  }
0x60: {  	(erf) = vrcp.f32 v9  }
0x61: {  	v52 =	vld [tilespmem:s18+$0x6440];
	(erf) = vpow2.f32 v7;
	_ =	sdelay $0x2  }
0x62: {  	v5 =	vadd.f32 v5, v6;
	_ =	sdelay $0x1  }
0x63: {  	v5 =	vadd.f32 v52, v5;
	_ =	sdelay $0x1  }
0x64: {  	v5 =	vmul.f32 $4.999999890e-03, v5  }
0x65: {  	v53 =	vpop (erf)  }
0x66: {  	v5 =	vsub.f32 $0.0e+00, v5;
	v7 =	vpop (erf)  }
0x67: {  	v7 =	vadd.f32 $1.000000000e+00, v7  }
0x68: {  	v5 =	vmul.f32 $1.442695020e+00, v5  }
0x69: {  	(erf) = vrcp.f32 v7  }
0x6a: {  	v54 =	vld [tilespmem:s18+$0x6450];
	(erf) = vpow2.f32 v5;
	_ =	sdelay $0x2  }
0x6b: {  	v3 =	vadd.f32 v4, v3;
	_ =	sdelay $0x1  }
0x6c: {  	v3 =	vadd.f32 v54, v3;
	_ =	sdelay $0x1  }
0x6d: {  	v3 =	vmul.f32 $4.999999890e-03, v3  }
0x6e: {  	v55 =	vpop (erf)  }
0x6f: {  	v3 =	vsub.f32 $0.0e+00, v3;
	v5 =	vpop (erf)  }
0x70: {  	v5 =	vadd.f32 $1.000000000e+00, v5  }
0x71: {  	v3 =	vmul.f32 $1.442695020e+00, v3  }
0x72: {  	(erf) = vrcp.f32 v5  }
0x73: {  	v56 =	vld [tilespmem:s18+$0x6460];
	(erf) = vpow2.f32 v3;
	_ =	sdelay $0x2  }
0x74: {  	v1 =	vadd.f32 v2, v1;
	_ =	sdelay $0x1  }
0x75: {  	v1 =	vadd.f32 v56, v1;
	_ =	sdelay $0x1  }
0x76: {  	v1 =	vmul.f32 $4.999999890e-03, v1  }
0x77: {  	v57 =	vpop (erf)  }
0x78: {  	v1 =	vsub.f32 $0.0e+00, v1;
	v3 =	vpop (erf)  }
0x79: {  	v3 =	vadd.f32 $1.000000000e+00, v3  }
0x7a: {  	v1 =	vmul.f32 $1.442695020e+00, v1  }
0x7b: {  	(erf) = vrcp.f32 v3  }
0x7c: {  	v58 =	vld [tilespmem:s18+$0x6470];
	(erf) = vpow2.f32 v1;
	_ =	sdelay $0x4  }
0x7d: {  	v0 =	vadd.f32 v58, v0;
	_ =	sdelay $0x1  }
0x7e: {  	v0 =	vmul.f32 $4.999999890e-03, v0  }
0x7f: {  	v59 =	vpop (erf)  }
0x80: {  	v0 =	vsub.f32 $0.0e+00, v0;
	v60 =	vpop (erf)  }
0x81: {  	v3 =	vadd.f32 $1.000000000e+00, v60  }
0x82: {  	v0 =	vmul.f32 $1.442695020e+00, v0  }
0x83: {  	(erf) = vrcp.f32 v3  }
0x84: {  	(erf) = vpow2.f32 v0;
	_ =	sdelay $0x7  }
0x85: {  	v61 =	vpop (erf)  }
0x86: {  	v62 =	vpop (erf)  }
0x87: {  	v3 =	vadd.f32 $1.000000000e+00, v62;
	_ =	sdelay $0x1  }
0x88: {  	(erf) = vrcp.f32 v3;
	_ =	sdelay $0x2  }
0x89: {  	[tilespmem:$0xC800] =	vst v49  }
0x8a: {  	[tilespmem:$0xC810] =	vst v51  }
0x8b: {  	[tilespmem:$0xC820] =	vst v53  }
0x8c: {  	[tilespmem:$0xC830] =	vst v55  }
0x8d: {  	[tilespmem:$0xC840] =	vst v57  }
0x8e: {  	s17 =	sadd.s32 $0x1, s17;
	[tilespmem:$0xC850] =	vst v59  }
0x8f: {  	p0 =	sne.s32 s17, s8;
	[tilespmem:$0xC860] =	vst v61;
	v63 =	vpop (erf)  }
.Ltmp2:
0x90: {  	[tilespmem:$0xC870] =	vst v63;
	(pc) =	sbr.rel @p0 .LBB2_1-.Ltmp2, $4  }
0x91: {  	[hbm4b:s7+s3] =	stream.linear.scatter [tilespmem:s16], [sflag:$0x3], $0x80, $0x38;
	[tilespmem:$0x1C480] =	vst v63  }
0x92: {  	_ =	swait.ge [sflag:s12], $0x80  }
0x93: {  	[sflag:s12] =	ssyncset.done $0x0  }
0x94: {  	[sflag:s12] =	ssyncadd.s32 $0xFFFFFF80  }
0x95: {  	_ =	sfence.sel $0x180000  }
0x96: {  	[bflag:$0x0] =	sbarrier.arrive $0xFFFF  }
0x97: {  	p0 =	sne.s32 s0, $0x0;
	_ =	strace $0x90000047  }
0x98: {  	s0 =	sadd.s32 @!p0 $0x100000, s1;
	[bflag:$0x2] =	sbarrier.arrive $0xFFFF  }
0x99: {  	[sflag:s0] =	ssyncadd.tile.s32 @!p0 $0x1;
	_ =	shalt  }
.Lfunc_end2:
_tile_overlayer_lowered:
.L_overlay_start_2:
0x9a: {  	(tag) =	ssettag $0x2  }
0x9b: {  	s0 =	rddreg [dreg:$0x0];
	s2 =	stileid.u32  }
0x9c: {  	s1 =	rddreg [dreg:$0x1];
	p0 =	sne.s32 s2, $0x0  }
0x9d: {  	s3 =	rddreg [dreg:$0x2];
	[bflag:$0x3] =	sbarrier.arrive $0xFFFF;
	s2 =	simm.s32 @!p0 $0x1C03  }
0x9e: {  	[timem:s3], [sflag:s2] =	dma.local @!p0 [hbm:s0], s1  }
0x9f: {  	s0 =	simm.s32 @!p0 $0x3  }
0xa0: {  	_ =	swait.ge @!p0 [sflag:s0], s1  }
0xa1: {  	s1 =	ssub.s32 @!p0 $0x0, s1;
	[sflag:s0] =	ssyncset.done @!p0 $0x0  }
0xa2: {  	[sflag:s0] =	ssyncadd.s32 @!p0 s1  }
0xa3: {  	[bflag:$0x3] =	sbarrier.arrive $0xFFFF  }
0xa4: {  	_ =	shalt  }

</sc_bundles>
